<compile_context>
chip_gen: v7x
topology: tpu7x:2x2x1
jax: 0.10.2.dev20260603
libtpu: 0.0.44.dev20260713+nightly
codegen_flags: <defaults>
</compile_context>

<pallas_src>
import functools

import jax
import jax.numpy as jnp
from jax import lax
from jax.experimental import pallas as pl
from jax.experimental.pallas import tpu as pltpu
from jax.experimental.pallas import tpu_sc as plsc

B, C, H, W = 4, 256, 128, 128
HW = H * W
P = 128
NC = 256
L = 16
G = HW // L
NW = 32
ITEMS = (B * P) // NW
ROWS = ITEMS * C
QCH = 128
NQ = ROWS // QCH
TPB = NW // B

_mesh = plsc.VectorSubcoreMesh(core_axis_name="c", subcore_axis_name="s")


@functools.partial(
    pl.kernel,
    mesh=_mesh,
    compiler_params=pltpu.CompilerParams(needs_layout_passes=False,
                                         use_tc_tiling_on_sc=False,
                                         skip_device_barrier=True),
    out_type=jax.ShapeDtypeStruct((B * P * C,), jnp.float32),
    scratch_types=[
        pltpu.VMEM((L,), jnp.int32),
        pltpu.VMEM((NQ, QCH), jnp.int32),
        pltpu.VMEM((ROWS, L), jnp.float32),
        pltpu.VMEM((ROWS,), jnp.float32),
        pltpu.SemaphoreType.DMA,
    ],
)
def _sc_gather(table_hbm, pidx_hbm, out_hbm, pidx_v, idx_v, gbuf, rows_v, sem):
    cid = lax.axis_index("c")
    sid = lax.axis_index("s")
    wid = sid * 2 + cid
    b = wid // TPB
    p0 = (wid % TPB) * ITEMS
    pltpu.sync_copy(pidx_hbm.at[pl.ds(p0, ITEMS)], pidx_v)

    iota = lax.iota(jnp.int32, L)
    bc0 = b * C
    pv = pidx_v[...]

    def build(j, _):
        pj = jnp.sum(jnp.where(iota == j, pv, 0))
        gj = lax.shift_right_logical(pj, 4)
        base = (bc0 + iota) * G + gj
        for m in range(C // L):
            q = 2 * j + m // 8
            idx_v[q, pl.ds((m % 8) * L, L)] = base + (m * L) * G
        for h in range(2):
            q = 2 * j + h
            pltpu.async_copy(table_hbm.at[idx_v.at[q]],
                             gbuf.at[pl.ds(q * QCH, QCH)], sem)
        return 0


    def extract(q, _):
        j = q // 2
        pj = jnp.sum(jnp.where(iota == j, pv, 0))
        offv = jnp.full((L,), 0, jnp.int32) + lax.bitwise_and(pj, 15)
        pltpu.make_async_copy(table_hbm.at[idx_v.at[q]],
                              gbuf.at[pl.ds(q * QCH, QCH)], sem).wait()
        for mm in range(QCH // L):
            rowv = q * QCH + mm * L + iota
            rows_v[pl.ds(q * QCH + mm * L, L)] = plsc.load_gather(gbuf, [rowv, offv])
        return 0


    pltpu.sync_copy(rows_v, out_hbm.at[pl.ds((b * P + p0) * C, ROWS)])


def _mlp_body(x_ref, w1_ref, b1_ref, w2_ref, b2_ref, o_ref):
    x = x_ref[...].reshape(B * P, C)
    h = lax.dot_general(x, w1_ref[...], (((1,), (1,)), ((), ())),
                        preferred_element_type=jnp.float32)
    h = jnp.maximum(h + b1_ref[...], 0.0)
    o = lax.dot_general(h, w2_ref[...], (((1,), (1,)), ((), ())),
                        preferred_element_type=jnp.float32)
    o = (o + b2_ref[...]).reshape(B, P, NC)
    n = jnp.sqrt(jnp.sum(o * o, axis=1, keepdims=True))
    o_ref[...] = o / (n + 1e-7)


_mlp = pl.pallas_call(
    _mlp_body,
    out_shape=jax.ShapeDtypeStruct((B, P, NC), jnp.float32),
)


def kernel(feats, W1, b1, W2, b2, patch_idx):
    table = feats.reshape(B * C * G, L)
    gathered = _sc_gather(table, patch_idx)
    out = _mlp(gathered, W1, b1.reshape(1, NC), W2, b2.reshape(1, NC))
    return (out, patch_idx)

# --- scband reference (transcript-rebuilt; emitter-appended) ---
"""Pipeline reference for scband-npmlphead-53893249630457 (READ-ONLY COPY).

The authoritative reference and input builder live on the scoring server;
editing this copy changes nothing except your own understanding.
"""

import jax, jax.numpy as jnp
import numpy as np

NC = 256
B, C, H, W = 4, 256, 128, 128
NUM_PATCHES = 128


def l2norm_dim1(x):
    # blocks.Normalize(2): norm over dim=1, divide with eps 1e-7
    norm = jnp.power(jnp.sum(jnp.power(x, 2.0), axis=1, keepdims=True), 0.5)
    return x / (norm + 1e-7)


def setup_inputs(seed: int = 0) -> dict:
    key = jax.random.key(seed)
    k1, k2, k3, k4 = jax.random.split(key, 4)
    feats = jax.random.normal(k1, (1, B, C, H, W), dtype=jnp.float32)
    # mlp_0 = Linear(C, nc) -> ReLU -> Linear(nc, nc), xavier-ish normal init (gain 0.02)
    W1 = jax.random.normal(k2, (NC, C), dtype=jnp.float32) * 0.02
    b1 = jnp.zeros((NC,), dtype=jnp.float32)
    W2 = jax.random.normal(k3, (NC, NC), dtype=jnp.float32) * 0.02
    b2 = jnp.zeros((NC,), dtype=jnp.float32)
    # torch.randperm(H*W)[:num_patches], materialized here for determinism
    patch_idx = jax.random.permutation(k4, H * W)[:NUM_PATCHES].astype(jnp.int32)
    return {"feats": feats, "W1": W1, "b1": b1, "W2": W2, "b2": b2, "patch_idx": patch_idx}


def reference(feats, W1, b1, W2, b2, patch_idx):
    return_feats = []
    return_ids = []
    # feats is a 'list' of one feature map: iterate leading dim
    for feat_id in range(feats.shape[0]):
        feat = feats[feat_id]  # [B, C, H, W]
        b_, c_, h_, w_ = feat.shape
        # permute(0,2,3,1).flatten(1,2); squeeze(0) is a no-op for B>1
        feat_reshape = jnp.transpose(feat, (0, 2, 3, 1)).reshape(b_, h_ * w_, c_)
        # num_patches > 0, patch_ids is None, seg is None -> random patch gather
        layer_samples = jnp.take(feat_reshape, patch_idx, axis=1)  # [B, 128, C]
        return_ids.append(patch_idx)
        # mlp_0 forward
        hdn = jax.nn.relu(layer_samples @ W1.T + b1)
        layer_samples = hdn @ W2.T + b2
        # l2norm (blocks.Normalize(2), dim=1)
        layer_samples = l2norm_dim1(layer_samples)
        return_feats.append(layer_samples)
    # pos_feats / neg_feats are empty lists in this code path
    return (return_feats[0], return_ids[0])

if __name__ == "__main__":
    import jax
    _d = setup_inputs()
    print(jax.jit(kernel)(*tuple(_d.values())))

</pallas_src>

<mosaic_0001>
#map = affine_map<(d0, d1) -> (0, 0)>
#map1 = affine_map<(d0, d1) -> (0)>
module attributes {stable_mosaic.version = 14 : i64} {
  func.func @_sc_gather(%arg0: i32, %arg1: i32, %arg2: memref<1048576x16xf32, #tpu.memory_space<hbm>>, %arg3: memref<128xi32, #tpu.memory_space<hbm>>, %arg4: memref<131072xf32, #tpu.memory_space<hbm>>, %arg5: memref<16xi32, #tpu.memory_space<vmem>>, %arg6: memref<32x128xi32, #tpu.memory_space<vmem>>, %arg7: memref<4096x16xf32, #tpu.memory_space<vmem>>, %arg8: memref<4096xf32, #tpu.memory_space<vmem>>, %arg9: memref<!tpu.dma_semaphore, #tpu.memory_space<semaphore_mem>>) attributes {dimension_semantics = [#tpu.dimension_semantics<core_parallel>, #tpu.dimension_semantics<subcore_parallel>], iteration_bounds = array<i64: 2, 16>, scalar_prefetch = 0 : i64, scratch_operands = 5 : i64, tpu.core_type = #tpu.core_type<sc_vector_subcore>, window_params = [{transform_indices = #map}, {transform_indices = #map1}, {transform_indices = #map1}]} {
    %mul3A = arith.constant 2 : i32
    %mul3A_0 = arith.muli %arg1, %mul3A : i32
    %add3A = arith.addi %mul3A_0, %arg0 : i32
    %jit3A = arith.constant 8 : i32
    %div3A = arith.divsi %add3A, %jit3A : i32
    %sign3A = arith.constant 0 : i32
    %sign3A_1 = arith.cmpi sgt, %add3A, %sign3A : i32
    %sign3A_2 = arith.extui %sign3A_1 : i1 to i32
    %sign3A_3 = arith.constant 0 : i32
    %sign3A_4 = arith.cmpi slt, %add3A, %sign3A_3 : i32
    %sign3A_5 = arith.extui %sign3A_4 : i1 to i32
    %sign3A_6 = arith.subi %sign3A_2, %sign3A_5 : i32
    %sign3A_7 = arith.constant 0 : i32
    %sign3A_8 = arith.cmpi sgt, %jit3A, %sign3A_7 : i32
    %sign3A_9 = arith.extui %sign3A_8 : i1 to i32
    %sign3A_10 = arith.constant 0 : i32
    %sign3A_11 = arith.cmpi slt, %jit3A, %sign3A_10 : i32
    %sign3A_12 = arith.extui %sign3A_11 : i1 to i32
    %sign3A_13 = arith.subi %sign3A_9, %sign3A_12 : i32
    %ne3A = arith.cmpi ne, %sign3A_6, %sign3A_13 : i32
    %rem3A = arith.remsi %add3A, %jit3A : i32
    %ne3A_14 = arith.constant 0 : i32
    %ne3A_15 = arith.cmpi ne, %rem3A, %ne3A_14 : i32
    %and3A = arith.andi %ne3A, %ne3A_15 : i1
    %sub3A = arith.constant 1 : i32
    %sub3A_16 = arith.subi %div3A, %sub3A : i32
    %select_n3A = arith.select %and3A, %sub3A_16, %div3A : i32
    %jit3A_17 = arith.constant 8 : i32
    %eq3A = arith.constant 0 : i32
    %eq3A_18 = arith.cmpi eq, %jit3A_17, %eq3A : i32
    %jit3A_19 = arith.constant 1 : i32
    %select_n3A_20 = arith.select %eq3A_18, %jit3A_19, %jit3A_17 : i32
    %rem3A_21 = arith.remsi %add3A, %select_n3A_20 : i32
    %ne3A_22 = arith.constant 0 : i32
    %ne3A_23 = arith.cmpi ne, %rem3A_21, %ne3A_22 : i32
    %lt3A = arith.constant 0 : i32
    %lt3A_24 = arith.cmpi slt, %rem3A_21, %lt3A : i32
    %lt3A_25 = arith.constant 0 : i32
    %lt3A_26 = arith.cmpi slt, %select_n3A_20, %lt3A_25 : i32
    %ne3A_27 = arith.xori %lt3A_24, %lt3A_26 : i1
    %and3A_28 = arith.andi %ne3A_27, %ne3A_23 : i1
    %add3A_29 = arith.addi %rem3A_21, %select_n3A_20 : i32
    %select_n3A_30 = arith.select %and3A_28, %add3A_29, %rem3A_21 : i32
    %mul3A_31 = arith.constant 16 : i32
    %mul3A_32 = arith.muli %select_n3A_30, %mul3A_31 : i32
    "tpu.region"() ({
      %run_scoped3A = tpu.sem_alloc : memref<!tpu.dma_semaphore, #tpu.memory_space<semaphore_mem>>
      %dma_start3A = tpu.memref_slice %arg3[%mul3A_32] : memref<128xi32, #tpu.memory_space<hbm>> -> memref<16xi32, #tpu.memory_space<hbm>>
      %dma_start3A_41 = tpu.memref_slice %arg3[%mul3A_32] : memref<128xi32, #tpu.memory_space<hbm>> -> memref<16xi32, #tpu.memory_space<hbm>>
      tpu.enqueue_dma source(%dma_start3A_41 : memref<16xi32, #tpu.memory_space<hbm>>) target(%arg5 : memref<16xi32, #tpu.memory_space<vmem>>) target_semaphore(%run_scoped3A : memref<!tpu.dma_semaphore, #tpu.memory_space<semaphore_mem>>)
      %dma_wait3A = tpu.memref_slice %arg3[%mul3A_32] : memref<128xi32, #tpu.memory_space<hbm>> -> memref<16xi32, #tpu.memory_space<hbm>>
      %dma_wait3A_42 = tpu.memref_slice %arg3[%mul3A_32] : memref<128xi32, #tpu.memory_space<hbm>> -> memref<16xi32, #tpu.memory_space<hbm>>
      tpu.wait_dma2 semaphore(%run_scoped3A : memref<!tpu.dma_semaphore, #tpu.memory_space<semaphore_mem>>) src(%dma_wait3A_42 : memref<16xi32, #tpu.memory_space<hbm>>) dst(%arg5 : memref<16xi32, #tpu.memory_space<vmem>>)
      tpu.yield
    }) : () -> ()
    %iota3A = tpu.iota {dimensions = array<i32: 0>} : vector<16xi32>
    %mul3A_33 = arith.constant 256 : i32
    %mul3A_34 = arith.muli %select_n3A, %mul3A_33 : i32
    %get3A = arith.constant 0 : index
    %get3A_35 = tpu.vector_load %arg5[%get3A] {strides = array<i32>} : memref<16xi32, #tpu.memory_space<vmem>>, vector<16xi32>,
    %mul3A_36 = arith.constant 128 : i32
    %mul3A_37 = arith.muli %select_n3A, %mul3A_36 : i32
    %add3A_38 = arith.addi %mul3A_37, %mul3A_32 : i32
    %mul3A_39 = arith.constant 256 : i32
    %mul3A_40 = arith.muli %add3A_38, %mul3A_39 : i32
    "tpu.region"() ({
      %run_scoped3A = tpu.sem_alloc : memref<!tpu.dma_semaphore, #tpu.memory_space<semaphore_mem>>
      %dma_start3A = tpu.memref_slice %arg4[%mul3A_40] : memref<131072xf32, #tpu.memory_space<hbm>> -> memref<4096xf32, #tpu.memory_space<hbm>>
      %dma_start3A_41 = tpu.memref_slice %arg4[%mul3A_40] : memref<131072xf32, #tpu.memory_space<hbm>> -> memref<4096xf32, #tpu.memory_space<hbm>>
      tpu.enqueue_dma source(%arg8 : memref<4096xf32, #tpu.memory_space<vmem>>) target(%dma_start3A_41 : memref<4096xf32, #tpu.memory_space<hbm>>) target_semaphore(%run_scoped3A : memref<!tpu.dma_semaphore, #tpu.memory_space<semaphore_mem>>)
      %dma_wait3A = tpu.memref_slice %arg4[%mul3A_40] : memref<131072xf32, #tpu.memory_space<hbm>> -> memref<4096xf32, #tpu.memory_space<hbm>>
      %dma_wait3A_42 = tpu.memref_slice %arg4[%mul3A_40] : memref<131072xf32, #tpu.memory_space<hbm>> -> memref<4096xf32, #tpu.memory_space<hbm>>
      tpu.wait_dma2 semaphore(%run_scoped3A : memref<!tpu.dma_semaphore, #tpu.memory_space<semaphore_mem>>) src(%arg8 : memref<4096xf32, #tpu.memory_space<vmem>>) dst(%dma_wait3A_42 : memref<4096xf32, #tpu.memory_space<hbm>>)
      tpu.yield
    }) : () -> ()
    return
  }
}

module attributes {stable_mosaic.version = 14 : i64} {
  func.func @_mlp_body(%arg0: memref<131072xf32, #tpu.memory_space<vmem>>, %arg1: memref<256x256xf32, #tpu.memory_space<vmem>>, %arg2: memref<1x256xf32, #tpu.memory_space<vmem>>, %arg3: memref<256x256xf32, #tpu.memory_space<vmem>>, %arg4: memref<1x256xf32, #tpu.memory_space<vmem>>, %arg5: memref<4x128x256xf32, #tpu.memory_space<vmem>>) attributes {dimension_semantics = [], scalar_prefetch = 0 : i64, scratch_operands = 0 : i64, tpu.core_type = #tpu.core_type<tc>} {
    %get3A = arith.constant 0 : index
    %get3A_0 = vector.load %arg0[%get3A] : memref<131072xf32, #tpu.memory_space<vmem>>, vector<131072xf32>
    %reshape3A = vector.shape_cast %get3A_0 : vector<131072xf32> to vector<512x256xf32>
    %get3A_1 = arith.constant 0 : index
    %get3A_2 = arith.constant 0 : index
    %get3A_3 = vector.load %arg1[%get3A_1, %get3A_2] : memref<256x256xf32, #tpu.memory_space<vmem>>, vector<256x256xf32>
    %dot_general3A = arith.constant dense<0.000000e+00> : vector<512x256xf32>
    %dot_general3A_4 = tpu.matmul %reshape3A, %get3A_3, %dot_general3A {dimension_numbers = #tpu.dot_dimension_numbers<[1], [1], [0], [0], [0, 0, 1, 0], [], []>, transpose_lhs_hint = false} : vector<512x256xf32>, vector<256x256xf32>, vector<512x256xf32> -> vector<512x256xf32>
    %get3A_5 = arith.constant 0 : index
    %get3A_6 = arith.constant 0 : index
    %get3A_7 = vector.load %arg2[%get3A_5, %get3A_6] : memref<1x256xf32, #tpu.memory_space<vmem>>, vector<1x256xf32>
    %add3A = vector.broadcast %get3A_7 : vector<1x256xf32> to vector<512x256xf32>
    %add3A_8 = arith.addf %dot_general3A_4, %add3A : vector<512x256xf32>
    %max3A = arith.constant 0.000000e+00 : f32
    %max3A_9 = vector.broadcast %max3A : f32 to vector<512x256xf32>
    %max3A_10 = arith.maximumf %add3A_8, %max3A_9 : vector<512x256xf32>
    %get3A_11 = arith.constant 0 : index
    %get3A_12 = arith.constant 0 : index
    %get3A_13 = vector.load %arg3[%get3A_11, %get3A_12] : memref<256x256xf32, #tpu.memory_space<vmem>>, vector<256x256xf32>
    %dot_general3A_14 = arith.constant dense<0.000000e+00> : vector<512x256xf32>
    %dot_general3A_15 = tpu.matmul %max3A_10, %get3A_13, %dot_general3A_14 {dimension_numbers = #tpu.dot_dimension_numbers<[1], [1], [0], [0], [0, 0, 1, 0], [], []>, transpose_lhs_hint = false} : vector<512x256xf32>, vector<256x256xf32>, vector<512x256xf32> -> vector<512x256xf32>
    %get3A_16 = arith.constant 0 : index
    %get3A_17 = arith.constant 0 : index
    %get3A_18 = vector.load %arg4[%get3A_16, %get3A_17] : memref<1x256xf32, #tpu.memory_space<vmem>>, vector<1x256xf32>
    %add3A_19 = vector.broadcast %get3A_18 : vector<1x256xf32> to vector<512x256xf32>
    %add3A_20 = arith.addf %dot_general3A_15, %add3A_19 : vector<512x256xf32>
    %reshape3A_21 = vector.shape_cast %add3A_20 : vector<512x256xf32> to vector<4x128x256xf32>
    %mul3A = arith.mulf %reshape3A_21, %reshape3A_21 : vector<4x128x256xf32>
    %reduce_sum3A = arith.constant dense<0.000000e+00> : vector<4x256xf32>
    %reduce_sum3A_22 = vector.multi_reduction <add>, %mul3A, %reduce_sum3A [1] : vector<4x128x256xf32> to vector<4x256xf32>
    %broadcast_in_dim3A = vector.shape_cast %reduce_sum3A_22 : vector<4x256xf32> to vector<4x1x256xf32>
    %sqrt3A = math.sqrt %broadcast_in_dim3A : vector<4x1x256xf32>
    %add3A_23 = arith.constant 1.000000e-07 : f32
    %add3A_24 = vector.broadcast %add3A_23 : f32 to vector<4x1x256xf32>
    %add3A_25 = arith.addf %sqrt3A, %add3A_24 : vector<4x1x256xf32>
    %div3A = vector.broadcast %add3A_25 : vector<4x1x256xf32> to vector<4x128x256xf32>
    %div3A_26 = arith.divf %reshape3A_21, %div3A : vector<4x128x256xf32>
    %swap3A = arith.constant 0 : index
    %swap3A_27 = arith.constant 0 : index
    %swap3A_28 = arith.constant 0 : index
    %swap3A_29 = vector.load %arg5[%swap3A, %swap3A_27, %swap3A_28] : memref<4x128x256xf32, #tpu.memory_space<vmem>>, vector<4x128x256xf32>
    tpu.vector_store %arg5[%swap3A, %swap3A_27, %swap3A_28], %div3A_26 {strides = array<i32>} : memref<4x128x256xf32, #tpu.memory_space<vmem>>, vector<4x128x256xf32>,
    return
  }
}

</mosaic_0001>

<sc_bundles>
// kernel: kernel.4.cloned.1.call-start
scs
__scs_entry_jumppad:
0x0: {  	(pc) =	sbr.rel $0x88, $3  }
0x1: {  	(tag) =	ssettag $0x0;
	lr =	simm.s32 $0x1  }
0x2: {  	[smem:$0x3F9B] =	sst lr;
	_ =	strace $0xD0000000  }
0x3: {  	_ = 	snop  }
0x4: {  	_ = 	snop  }
0x5: {  	_ = 	snop  }
0x6: {  	_ = 	snop  }
0x7: {  	_ = 	snop  }
__scs_overlays_trampoline_lowered:
0x8: {  	[smem:$0x3FAA] =	sst s0  }
0x9: {  	[smem:$0x3FAB] =	sst s1  }
0xa: {  	[smem:$0x3FAC] =	sst s2  }
0xb: {  	[smem:$0x3FAD] =	sst s3  }
0xc: {  	[smem:$0x3FAE] =	sst s4  }
0xd: {  	[smem:$0x3FAF] =	sst s5  }
0xe: {  	[smem:$0x3FB0] =	sst s6  }
0xf: {  	[smem:$0x3FB1] =	sst s7  }
0x10: {  	[smem:$0x3FB2] =	sst s8  }
0x11: {  	[smem:$0x3FB3] =	sst s9;
	s0 =	simm.s32 @!p0 $0x0  }
0x12: {  	s1 =	sld [smem:$0x3F99];
	s0 =	simm.s32 @p0 $0x1  }
0x13: {  	[smem:$0x3FB4] =	sst s0;
	s0 =	simm.s32 @!p1 $0x0  }
0x14: {  	s2 =	sld [smem:$0x3F98];
	s0 =	simm.s32 @p1 $0x1  }
0x15: {  	[smem:$0x3FB5] =	sst s0;
	s0 =	simm.s32 @!p2 $0x0  }
0x16: {  	s3 =	sld [smem:$0x3FDB];
	s0 =	simm.s32 @p2 $0x1  }
0x17: {  	s4 =	simm.s32 $0x1BF5;
	[smem:$0x3FB7] =	sst s0  }
0x18: {  	s0 =	sld [smem:$0x3F9A];
	_ =	swait.ge [sflag:s4], $0x0  }
0x19: {  	s7 =	sld [smem:$0x3F9B]  }
0x1a: {  	s8 =	sadd.s32 $0xFFFFE003, lr  }
0x1b: {  	s9 =	sadd.s32 $0xFFFFFEF7, lr;
	s5 =	simm.s32 $0xFFFFFFFF;
	p2 =	slt.u32 s8, $0xFFFFF086  }
0x1c: {  	p1 =	slt.u32 s9, $0xF7A;
	s5 =	simm.s32 @!p2 $0x0  }
0x1d: {  	s5 =	simm.s32 @p1 $0x1;
	p0 =	seq.s32 s7, s2  }
0x1e: {  	s7 =	smul.u32 @!p0 $0xF7A, s2;
	p2 =	seq.s32 @!p0 s5, $0x0  }
0x1f: {  	s9 =	smul.u32 $0xF7A, s1;
	s8 =	simm.s32 @!p0 $0x1BF5;
	p2 =	por !p2, p0  }
0x20: {  	[sflag:s8] =	ssyncset.s32 @!p0 $0xFFFFF086;
	s6 =	sadd.s32 @!p0 s3, s7;
	s7 =	simm.s32 @!p0 $0x108  }
0x21: {  	s3 =	sadd.s32 s3, s9;
	s6 =	sadd.s32 @!p0 $0x88, s6;
	s7 =	simm.s32 @p2 $0x1082  }
0x22: {  	[simem:s7], [sflag:s8] =	dma.local @!p0 [hbm:s6], $0xF7A  }
0x23: {  	s9 =	sor.u32 $0xD0000000, s2;
	s6 =	simm.s32 $0x108;
	_ =	swait.ge @!p0 [sflag:s8], $0x0  }
0x24: {  	s3 =	sadd.s32 $0x88, s3;
	s6 =	simm.s32 @!p1 $0x1082;
	[sflag:s4] =	ssyncset.s32 $0xFFFFF086  }
0x25: {  	[simem:s6], [sflag:s4] =	dma.local [hbm:s3], $0xF7A  }
0x26: {  	[smem:$0x3F9B] =	sst s1;
	(tag) =	ssettag s2;
	_ =	strace s9  }
0x27: {  	s1 =	sld [smem:$0x3FAB]  }
0x28: {  	s2 =	sld [smem:$0x3FAC]  }
0x29: {  	s4 =	sld [smem:$0x3FAE]  }
0x2a: {  	p0 =	seq.s32 s5, $0x0;
	s5 =	sld [smem:$0x3FAF]  }
0x2b: {  	s6 =	sld [smem:$0x3FB0]  }
0x2c: {  	s7 =	sld [smem:$0x3FB1]  }
0x2d: {  	s3 =	simm.s32 $0x108;
	s8 =	sld [smem:$0x3FB2]  }
0x2e: {  	s3 =	simm.s32 @!p0 $0x1082;
	s9 =	sld [smem:$0x3FB3]  }
0x2f: {  	lr =	sadd.s32 s0, s3;
	s0 =	sld [smem:$0x3FAA]  }
0x30: {  	s3 =	sld [smem:$0x3FAD]  }
0x31: {  	[smem:$0x3FB6] =	sst s10  }
0x32: {  	s10 =	sld [smem:$0x3FB4];
	_ =	sdelay $0x3  }
0x33: {  	p0 =	seq.s32 s10, $0x1;
	s10 =	sld [smem:$0x3FB6];
	_ =	sdelay $0x3  }
0x34: {  	[smem:$0x3FB6] =	sst s10  }
0x35: {  	s10 =	sld [smem:$0x3FB5];
	_ =	sdelay $0x3  }
0x36: {  	p1 =	seq.s32 s10, $0x1;
	s10 =	sld [smem:$0x3FB6];
	_ =	sdelay $0x3  }
0x37: {  	[smem:$0x3FB6] =	sst s10  }
0x38: {  	s10 =	sld [smem:$0x3FB7]  }
0x39: {  	_ = 	snop;
	(pc) =	sbr.ind lr, $3  }
0x3a: {  	_ = 	snop  }
0x3b: {  	_ = 	snop  }
0x3c: {  	p2 =	seq.s32 s10, $0x1;
	s10 =	sld [smem:$0x3FB6]  }
0x3d: {  	_ =	shalt  }
0x3e: {  	_ =	shalt  }
0x3f: {  	_ =	shalt  }
0x40: {  	_ =	shalt  }
0x41: {  	_ =	shalt  }
0x42: {  	_ =	shalt  }
0x43: {  	_ =	shalt  }
0x44: {  	_ =	shalt  }
0x45: {  	_ =	shalt  }
0x46: {  	_ =	shalt  }
0x47: {  	_ =	shalt  }
0x48: {  	_ =	shalt  }
0x49: {  	_ =	shalt  }
0x4a: {  	_ =	shalt  }
0x4b: {  	_ =	shalt  }
0x4c: {  	_ =	shalt  }
0x4d: {  	_ =	shalt  }
0x4e: {  	_ =	shalt  }
0x4f: {  	_ =	shalt  }
0x50: {  	_ =	shalt  }
0x51: {  	_ =	shalt  }
0x52: {  	_ =	shalt  }
0x53: {  	_ =	shalt  }
0x54: {  	_ =	shalt  }
0x55: {  	_ =	shalt  }
0x56: {  	_ =	shalt  }
0x57: {  	_ =	shalt  }
0x58: {  	_ =	shalt  }
0x59: {  	_ =	shalt  }
0x5a: {  	_ =	shalt  }
0x5b: {  	_ =	shalt  }
0x5c: {  	_ =	shalt  }
0x5d: {  	_ =	shalt  }
0x5e: {  	_ =	shalt  }
0x5f: {  	_ =	shalt  }
0x60: {  	_ =	shalt  }
0x61: {  	_ =	shalt  }
0x62: {  	_ =	shalt  }
0x63: {  	_ =	shalt  }
0x64: {  	_ =	shalt  }
0x65: {  	_ =	shalt  }
0x66: {  	_ =	shalt  }
0x67: {  	_ =	shalt  }
0x68: {  	_ =	shalt  }
0x69: {  	_ =	shalt  }
0x6a: {  	_ =	shalt  }
0x6b: {  	_ =	shalt  }
0x6c: {  	_ =	shalt  }
0x6d: {  	_ =	shalt  }
0x6e: {  	_ =	shalt  }
0x6f: {  	_ =	shalt  }
0x70: {  	_ =	shalt  }
0x71: {  	_ =	shalt  }
0x72: {  	_ =	shalt  }
0x73: {  	_ =	shalt  }
0x74: {  	_ =	shalt  }
0x75: {  	_ =	shalt  }
0x76: {  	_ =	shalt  }
0x77: {  	_ =	shalt  }
0x78: {  	_ =	shalt  }
0x79: {  	_ =	shalt  }
0x7a: {  	_ =	shalt  }
0x7b: {  	_ =	shalt  }
0x7c: {  	_ =	shalt  }
0x7d: {  	_ =	shalt  }
0x7e: {  	_ =	shalt  }
0x7f: {  	_ =	shalt  }
0x80: {  	_ =	shalt  }
0x81: {  	_ =	shalt  }
0x82: {  	_ =	shalt  }
0x83: {  	_ =	shalt  }
0x84: {  	_ =	shalt  }
0x85: {  	_ =	shalt  }
0x86: {  	_ =	shalt  }
0x87: {  	_ =	shalt  }
.Lfunc_end0:
.L_simem_size_0:
called_computation_lowered:
.L_overlay_start_0:
0x88: {  	s2 =	sld [smem:$0x3FD9]  }
0x89: {  	s3 =	sld [smem:$0x3FFE];
	_ =	sdelay $0x1  }
0x8a: {  	s1 =	srdreg.scid  }
0x8b: {  	s0 =	sand.u32 $0x1, s1  }
0x8c: {  	s15 =	sshll.u32 s0, $0xA;
	s2 =	sadd.s32 s3, s2  }
0x8d: {  	s2 =	sadd.s32 s2, s15  }
0x8e: {  	[smem:$0x3FC2] =	sst s2  }
0x8f: {  	_ = 	snop  }
0x90: {  	s2 =	sld [smem:$0x3FD0];
	_ =	sdelay $0x2  }
0x91: {  	s4 =	simm.s32 $0xA;
	s5 =	simm.s32 $0x10;
	s16 =	sld [smem:$0x3FC4]  }
0x92: {  	[smem:s5], [sflag:s4] =	dma.local [hbm:s2], $0x1  }
0x93: {  	_ =	swait.eq [sflag:s4], $0x1  }
0x94: {  	[sflag:s4] =	ssyncset.done $0x0  }
0x95: {  	[sflag:s4] =	ssyncadd.s32 $0xFFFFFFFF  }
0x96: {  	s17 =	sld [smem:$0x10];
	(tm) =	ssettm $0x1  }
0x97: {  	s18 =	sld [smem:$0x3FFB];
	_ =	sdelay $0x3  }
0x98: {  	_ =	strace s18  }
0x99: {  	s4 =	sld [smem:$0x3FFC];
	_ =	sdelay $0x3  }
0x9a: {  	_ =	strace s4  }
0x9b: {  	s4 =	sld [smem:$0x3FFD];
	_ =	sdelay $0x3  }
0x9c: {  	_ =	strace s4  }
0x9d: {  	_ =	strace $0x8FFFFFFF  }
0x9e: {  	s19 =	sld [smem:$0x3FDB];
	_ =	sdelay $0x1  }
0x9f: {  	s20 =	simm.s32 $_scs_section_size  }
0xa0: {  	s6 =	simm.s32 $_size__tile_overlayer_lowered;
	s7 =	simm.s32 $_tile_overlayer_lowered  }
0xa1: {  	s23 =	simm.s32 $0x1BFF;
	s22 =	sshll.u32 s7, $0x1;
	s4 =	sadd.s32 s20, s19  }
0xa2: {  	s8 =	simm.s32 $0x0;
	s21 =	sshll.u32 s6, $0x1;
	s6 =	sadd.s32 s22, s4  }
0xa3: {  	[timem:s8], [sflag:s23] =	dma.local [hbm:s6], s21  }
0xa4: {  	_ =	swait.ge [sflag:s23], s21  }
0xa5: {  	s5 =	ssub.s32 $0x0, s21;
	[sflag:s23] =	ssyncset.done $0x0  }
0xa6: {  	[sflag:s23] =	ssyncadd.s32 s5;
	_ =	sdelay $0x1  }
0xa7: {  	s24 =	simm.s32 $0x1B8B  }
0xa8: {  	_ =	swait.ge [sflag:s24], $0x1  }
0xa9: {  	[sflag:s24] =	ssyncset.done $0x0  }
0xaa: {  	s25 =	simm.s32 $0x1B8E;
	[sflag:s24] =	ssyncadd.s32 $0xFFFFFFFF  }
0xab: {  	s26 =	simm.s32 $execute0_lowered;
	[smem:$0x3FD2] =	sst s25  }
0xac: {  	s5 =	sshll.u32 s26, $0x1;
	_ =	strace $0x80000046;
	[dreg:$0x1] =	wrdreg $0xFFFFFFFF  }
0xad: {  	s28 =	simm.s32 $_size_execute0_lowered;
	s4 =	sadd.s32 s4, s5;
	[dreg:$0x0] =	wrdreg $0x0  }
0xae: {  	s5 =	sshll.u32 s28, $0x1;
	[dreg:$0x2] =	wrdreg s4  }
0xaf: {  	[dreg:$0x3] =	wrdreg s5  }
0xb0: {  	[dreg:$0x4] =	wrdreg $0xC0  }
0xb1: {  	_ =	task [dreg:s8], $0x5FFFF  }
0xb2: {  	[dreg:$0x1] =	wrdreg $0xFFFFFFFF  }
0xb3: {  	[dreg:$0x0] =	wrdreg $0x60  }
0xb4: {  	[dreg:$0x2] =	wrdreg s16  }
0xb5: {  	[dreg:$0x3] =	wrdreg s17  }
0xb6: {  	[dreg:$0x4] =	wrdreg $0x9  }
0xb7: {  	_ =	task.clear_ibuf [dreg:s8], $0x5FFFF;
	_ =	strace $0x90000046  }
0xb8: {  	s29 =	simm.s32 $0x9;
	_ =	strace $0x80000048  }
0xb9: {  	_ =	swait.ge [sflag:s29], $0x1  }
0xba: {  	[sflag:s29] =	ssyncadd.s32 $0xFFFFFFFF  }
0xbb: {  	_ =	strace $0x90000048  }
0xbc: {  	_ =	sfence  }
0xbd: {  	s30 =	sld [smem:$0x0];
	_ =	sdelay $0x2  }
0xbe: {  	s31 =	sshll.u32 s1, $0xD;
	s1 =	sshrl.u32 s1, $0x2  }
0xbf: {  	s3 =	sand.u32 $0x4000, s31;
	s1 =	sadd.s32 s1, s30  }
0xc0: {  	s0 =	sor.u32 s3, s0;
	s1 =	sshll.u32 s1, $0x11  }
0xc1: {  	s0 =	sor.u32 s1, s0  }
0xc2: {  	s0 =	sadd.s32 $0x8F2B, s0  }
0xc3: {  	[sflag:s0] =	ssyncadd.remote.s32 $0x1  }
0xc4: {  	_ =	sfence.sel $0xFFFF  }
0xc5: {  	[dreg:$0x0] =	wrdreg $0xFFFFFFFF;
	(pc) =	sbr.abs _section_cstart, $3  }
0xc6: {  	[dreg:$0x1] =	wrdreg $0xFFFFFFFF  }
0xc7: {  	_ =	task.clear_ibuf [dreg:s8], $0x2FFFF;
	_ =	strace $0x9FFFFFFF  }
0xc8: {  	(tm) =	ssettm $0x7FFFFFFF  }
0xc9: {  	_ =	shalt  }
tec
execute0_lowered:
.L_overlay_start_1:
0x0: {  	(tag) =	ssettag $0x1  }
0x1: {  	s3 =	rddreg [dreg:$0x0]  }
0x2: {  	s4 =	rddreg [dreg:$0x1]  }
0x3: {  	s0 =	rddreg [dreg:$0x2];
	s1 =	stileid.u32  }
0x4: {  	s2 =	simm.s32 $0x0;
	s5 =	srdreg.scid;
	s6 =	sshll.u32 s1, $0x1  }
0x5: {  	[smem:$0x7FF] =	sst s2;
	s5 =	sand.u32 $0x1, s5;
	s6 =	sand.u32 $0x6, s6  }
0x6: {  	s7 =	sshll.u32 s1, $0xA;
	s6 =	sor.u32 s5, s6;
	s5 =	ssub.s32 $0x2, s5  }
0x7: {  	_ =	strace $0x80000047;
	s8 =	sshll.u32 s6, $0x1;
	s30 =	sshrl.u32 s5, $0x1  }
0x8: {  	s7 =	sand.u32 $0x3000, s7;
	s3 =	sadd.s32 s3, s8;
	s8 =	ssub.s32 s5, s30  }
0x9: {  	[tilespmem:s2], [sflag:$0x1] =	stream.linear.gather [hbm4b:s3+s2], $0x10, $0x38;
	[tilespmem:$0x1010] =	vst v63  }
0xa: {  	s7 =	sadd.s32 s4, s7;
	s4 =	simm.s32 $0x1;
	s31 =	smax.u32 s8, $0x1  }
0xb: {  	_ =	swait.ge [sflag:s4], $0x10;
	p0 =	sne.s32 s31, $0x1  }
.Ltmp0:
0xc: {  	s6 =	sshll.u32 s6, $0x9;
	[sflag:s4] =	ssyncset.done $0x0;
	(pc) =	sbr.rel @!p0 .LBB2_2-.Ltmp0, $4  }
0xd: {  	s5 =	sadd.s32 s6, s7;
	s6 =	simm.s32 $0x10;
	[sflag:s4] =	ssyncadd.s32 $0xFFFFFFF0  }
0xe: {  	[hbm4b:s5+s2] =	stream.linear.scatter [tilespmem:s6], [sflag:$0x1], $0x1000, $0x38;
	[tilespmem:$0x1010] =	vst v63  }
0xf: {  	_ =	swait.ge [sflag:s4], $0x1000  }
0x10: {  	s7 =	sadd.s32 $0xFFFFFFFF, s31;
	[sflag:s4] =	ssyncset.done $0x0  }
.LBB2_1:
0x11: {  	p0 =	sne.s32 s7, $0x1;
	s7 =	sadd.s32 $0xFFFFFFFF, s7;
	[sflag:s4] =	ssyncadd.s32 $0xFFFFF000  }
0x12: {  	[tilespmem:s2], [sflag:$0x1] =	stream.linear.gather [hbm4b:s3+s2], $0x10, $0x38;
	[tilespmem:$0x1010] =	vst v63  }
0x13: {  	_ =	swait.ge [sflag:s4], $0x10  }
.Ltmp1:
0x14: {  	[sflag:s4] =	ssyncset.done $0x0;
	(pc) =	sbr.rel @p0 .LBB2_1-.Ltmp1, $4  }
0x15: {  	[sflag:s4] =	ssyncadd.s32 $0xFFFFFFF0  }
0x16: {  	[hbm4b:s5+s2] =	stream.linear.scatter [tilespmem:s6], [sflag:$0x1], $0x1000, $0x38;
	[tilespmem:$0x1010] =	vst v63  }
0x17: {  	_ =	swait.ge [sflag:s4], $0x1000  }
0x18: {  	[sflag:s4] =	ssyncset.done $0x0  }
.LBB2_2:
0x19: {  	[sflag:s4] =	ssyncadd.s32 $0xFFFFF000  }
0x1a: {  	_ =	sfence.sel $0x180000  }
0x1b: {  	[bflag:$0x0] =	sbarrier.arrive $0xFFFF  }
0x1c: {  	p0 =	sne.s32 s1, $0x0;
	_ =	strace $0x90000047  }
0x1d: {  	s0 =	sadd.s32 @!p0 $0x100000, s0;
	[bflag:$0x2] =	sbarrier.arrive $0xFFFF  }
0x1e: {  	[sflag:s0] =	ssyncadd.tile.s32 @!p0 $0x1;
	_ =	shalt  }
.Lfunc_end2:
_tile_overlayer_lowered:
.L_overlay_start_2:
0x1f: {  	(tag) =	ssettag $0x2  }
0x20: {  	s0 =	rddreg [dreg:$0x0];
	s2 =	stileid.u32  }
0x21: {  	s1 =	rddreg [dreg:$0x1];
	p0 =	sne.s32 s2, $0x0  }
0x22: {  	s3 =	rddreg [dreg:$0x2];
	[bflag:$0x3] =	sbarrier.arrive $0xFFFF;
	s2 =	simm.s32 @!p0 $0x1C01  }
0x23: {  	[timem:s3], [sflag:s2] =	dma.local @!p0 [hbm:s0], s1  }
0x24: {  	s0 =	simm.s32 @!p0 $0x1  }
0x25: {  	_ =	swait.ge @!p0 [sflag:s0], s1  }
0x26: {  	s1 =	ssub.s32 @!p0 $0x0, s1;
	[sflag:s0] =	ssyncset.done @!p0 $0x0  }
0x27: {  	[sflag:s0] =	ssyncadd.s32 @!p0 s1  }
0x28: {  	[bflag:$0x3] =	sbarrier.arrive $0xFFFF  }
0x29: {  	_ =	shalt  }

</sc_bundles>
